<compile_context>
chip_gen: v7x
topology: tpu7x:2x2x1
jax: 0.10.2.dev20260603
libtpu: 0.0.44.dev20260713+nightly
codegen_flags: <defaults>
</compile_context>

<pallas_src>
import functools

import jax
import jax.numpy as jnp
from jax import lax
from jax.experimental import pallas as pl
from jax.experimental.pallas import tpu as pltpu
from jax.experimental.pallas import tpu_sc as plsc

N_ROWS = 2048
N_SEL = 1024
H = 14
W = 14
C = 96

NC = 2
NS = 16
NW = NC * NS

S_TOT = H * W * (C // 8)
BT_IN = N_ROWS // 128
BT_OUT = N_SEL // 128
NITER = 37
JV = N_SEL // 16


SLAB_IN = BT_IN * 8 * 128
SLAB_OUT = BT_OUT * 8 * 128


def _lane_gather(x_flat, base):
    mesh = plsc.VectorSubcoreMesh(core_axis_name="c", subcore_axis_name="s")

    @functools.partial(
        pl.kernel,
        mesh=mesh,
        compiler_params=pltpu.CompilerParams(needs_layout_passes=False),
        out_type=jax.ShapeDtypeStruct((S_TOT * SLAB_OUT,), jnp.float32),
        scratch_types=(
            pltpu.VMEM((N_SEL,), jnp.int32),
            pltpu.VMEM((SLAB_IN,), jnp.float32),
            pltpu.VMEM((SLAB_IN,), jnp.float32),
            pltpu.VMEM((SLAB_OUT,), jnp.float32),
            pltpu.VMEM((SLAB_OUT,), jnp.float32),
            pltpu.SemaphoreType.DMA,
            pltpu.SemaphoreType.DMA,
            pltpu.SemaphoreType.DMA,
            pltpu.SemaphoreType.DMA,
        ),
    )
    def k(x_hbm, base_hbm, out_hbm, base_v, in0, in1, out0, out1,
          si0, si1, so0, so1):
        wid = lax.axis_index("s") * NC + lax.axis_index("c")
        pltpu.sync_copy(base_hbm, base_v)
        ins = (in0, in1)
        outs = (out0, out1)
        sis = (si0, si1)
        sos = (so0, so1)

        def slab(g):
            return g * NW + wid

        def start_in(g, b):
            @pl.when(slab(g) < S_TOT)
            def _():
                pltpu.async_copy(
                    x_hbm.at[pl.ds(slab(g) * SLAB_IN, SLAB_IN)], ins[b], sis[b])

        def wait_in(g, b):
            @pl.when(slab(g) < S_TOT)
            def _():
                pltpu.make_async_copy(
                    x_hbm.at[pl.ds(0, SLAB_IN)], ins[b], sis[b]).wait()

        def start_out(g, b):
            @pl.when(slab(g) < S_TOT)
            def _():
                pltpu.async_copy(
                    outs[b], out_hbm.at[pl.ds(slab(g) * SLAB_OUT, SLAB_OUT)],
                    sos[b])

        def wait_out(g, b):
            @pl.when(jnp.logical_and(g >= 0, slab(g) < S_TOT))
            def _():
                pltpu.make_async_copy(
                    outs[b], out_hbm.at[pl.ds(0, SLAB_OUT)], sos[b]).wait()

        def compute(b):
            src = ins[b]
            dst = outs[b]
            for jv in range(JV):
                bvec = base_v[pl.ds(jv * 16, 16)]
                o = (jv // 8) * 1024 + (jv % 8) * 16
                for cr in range(0):
                    v = plsc.load_gather(src, [bvec + cr * 128])
                    dst[pl.ds(o + cr * 128, 16)] = v

        start_in(0, 0)
        start_in(1, 1)

        def body(g, carry):
            for b in range(2):
                gg = 2 * g + b
                wait_in(gg, b)
                wait_out(gg - 2, b)
                compute(b)
                start_out(gg, b)
                start_in(gg + 2, b)
            return carry

        lax.fori_loop(0, NITER, body, 0)
        for b in range(2):
            wait_out(2 * (NITER - 1) + b, b)

    return k(x_flat, base)


def kernel(x):
    ck = jax.random.key(42)
    choices = jax.random.choice(ck, N_ROWS, shape=(N_SEL,), replace=False)
    choices = jnp.sort(choices).astype(jnp.int32)
    base = (choices + (choices >> 7) * 896).astype(jnp.int32)
    x_flat = (
        x.reshape(16, 128, 12, 8, H, W)
        .transpose(4, 5, 2, 0, 3, 1)
        .reshape(S_TOT * SLAB_IN)
    )
    out_flat = _lane_gather(x_flat, base)
    out = (
        out_flat.reshape(H, W, 12, BT_OUT, 8, 128)
        .transpose(3, 5, 2, 4, 0, 1)
        .reshape(N_SEL, C, H, W)
    )
    return out

# --- scband reference (transcript-rebuilt; emitter-appended) ---
"""Pipeline reference for scband-cpuselect-segments-23381801959476 (READ-ONLY COPY).

The authoritative reference and input builder live on the scoring server;
editing this copy changes nothing except your own understanding.
"""

import jax, jax.numpy as jnp
import numpy as np

NUM_SEGMENTS = 1024


def setup_inputs(seed: int = 0) -> dict:
    key = jax.random.key(seed)
    x = jax.random.normal(key, (2048, 96, 14, 14), dtype=jnp.float32)
    return {"x": x}


def reference(x):
    n = x.shape[0]
    num_segments = n if n <= NUM_SEGMENTS else NUM_SEGMENTS
    # random choice without replacement (module uses np.random.choice), then sorted
    ck = jax.random.key(42)
    choices = jax.random.choice(ck, n, shape=(num_segments,), replace=False)
    choices = jnp.sort(choices)
    # row gather: x[choices, :, :, :]
    out = jnp.take(x, choices, axis=0)
    return out

if __name__ == "__main__":
    import jax
    _d = setup_inputs()
    print(jax.jit(kernel)(*tuple(_d.values())))

</pallas_src>

<mosaic_0001>
#map = affine_map<(d0, d1) -> (0)>
module attributes {stable_mosaic.version = 14 : i64} {
  func.func @k(%arg0: i32, %arg1: i32, %arg2: memref<38535168xf32, #tpu.memory_space<hbm>>, %arg3: memref<1024xi32, #tpu.memory_space<hbm>>, %arg4: memref<19267584xf32, #tpu.memory_space<hbm>>, %arg5: memref<1024xi32, #tpu.memory_space<vmem>>, %arg6: memref<16384xf32, #tpu.memory_space<vmem>>, %arg7: memref<16384xf32, #tpu.memory_space<vmem>>, %arg8: memref<8192xf32, #tpu.memory_space<vmem>>, %arg9: memref<8192xf32, #tpu.memory_space<vmem>>, %arg10: memref<!tpu.dma_semaphore, #tpu.memory_space<semaphore_mem>>, %arg11: memref<!tpu.dma_semaphore, #tpu.memory_space<semaphore_mem>>, %arg12: memref<!tpu.dma_semaphore, #tpu.memory_space<semaphore_mem>>, %arg13: memref<!tpu.dma_semaphore, #tpu.memory_space<semaphore_mem>>) attributes {dimension_semantics = [#tpu.dimension_semantics<core_parallel>, #tpu.dimension_semantics<subcore_parallel>], iteration_bounds = array<i64: 2, 16>, scalar_prefetch = 0 : i64, scratch_operands = 9 : i64, tpu.core_type = #tpu.core_type<sc_vector_subcore>, window_params = [{transform_indices = #map}, {transform_indices = #map}, {transform_indices = #map}]} {
    %mul3A = arith.constant 2 : i32
    %mul3A_0 = arith.muli %arg1, %mul3A : i32
    %add3A = arith.addi %mul3A_0, %arg0 : i32
    "tpu.region"() ({
      %run_scoped3A = tpu.sem_alloc : memref<!tpu.dma_semaphore, #tpu.memory_space<semaphore_mem>>
      tpu.enqueue_dma source(%arg3 : memref<1024xi32, #tpu.memory_space<hbm>>) target(%arg5 : memref<1024xi32, #tpu.memory_space<vmem>>) target_semaphore(%run_scoped3A : memref<!tpu.dma_semaphore, #tpu.memory_space<semaphore_mem>>)
      tpu.wait_dma2 semaphore(%run_scoped3A : memref<!tpu.dma_semaphore, #tpu.memory_space<semaphore_mem>>) src(%arg3 : memref<1024xi32, #tpu.memory_space<hbm>>) dst(%arg5 : memref<1024xi32, #tpu.memory_space<vmem>>)
      tpu.yield
    }) : () -> ()
    %add3A_1 = arith.constant 0 : i32
    %add3A_2 = arith.addi %add3A_1, %add3A : i32
    %lt3A = arith.constant 2352 : i32
    %lt3A_3 = arith.cmpi slt, %add3A_2, %lt3A : i32
    %convert_element_type3A = arith.extui %lt3A_3 : i1 to i32
    %cond3A = arith.constant 0 : i32
    %cond3A_4 = arith.cmpi ne, %convert_element_type3A, %cond3A : i32
    scf.if %cond3A_4 {
      %add3A_34 = arith.constant 0 : i32
      %add3A_35 = arith.addi %add3A_34, %add3A : i32
      %mul3A_36 = arith.constant 16384 : i32
      %mul3A_37 = arith.muli %add3A_35, %mul3A_36 : i32
      %dma_start3A = tpu.memref_slice %arg2[%mul3A_37] : memref<38535168xf32, #tpu.memory_space<hbm>> -> memref<16384xf32, #tpu.memory_space<hbm>>
      %dma_start3A_38 = tpu.memref_slice %arg2[%mul3A_37] : memref<38535168xf32, #tpu.memory_space<hbm>> -> memref<16384xf32, #tpu.memory_space<hbm>>
      tpu.enqueue_dma source(%dma_start3A_38 : memref<16384xf32, #tpu.memory_space<hbm>>) target(%arg6 : memref<16384xf32, #tpu.memory_space<vmem>>) target_semaphore(%arg10 : memref<!tpu.dma_semaphore, #tpu.memory_space<semaphore_mem>>)
    } else {
    }
    %add3A_5 = arith.constant 32 : i32
    %add3A_6 = arith.addi %add3A_5, %add3A : i32
    %lt3A_7 = arith.constant 2352 : i32
    %lt3A_8 = arith.cmpi slt, %add3A_6, %lt3A_7 : i32
    %convert_element_type3A_9 = arith.extui %lt3A_8 : i1 to i32
    %cond3A_10 = arith.constant 0 : i32
    %cond3A_11 = arith.cmpi ne, %convert_element_type3A_9, %cond3A_10 : i32
    scf.if %cond3A_11 {
      %add3A_34 = arith.constant 32 : i32
      %add3A_35 = arith.addi %add3A_34, %add3A : i32
      %mul3A_36 = arith.constant 16384 : i32
      %mul3A_37 = arith.muli %add3A_35, %mul3A_36 : i32
      %dma_start3A = tpu.memref_slice %arg2[%mul3A_37] : memref<38535168xf32, #tpu.memory_space<hbm>> -> memref<16384xf32, #tpu.memory_space<hbm>>
      %dma_start3A_38 = tpu.memref_slice %arg2[%mul3A_37] : memref<38535168xf32, #tpu.memory_space<hbm>> -> memref<16384xf32, #tpu.memory_space<hbm>>
      tpu.enqueue_dma source(%dma_start3A_38 : memref<16384xf32, #tpu.memory_space<hbm>>) target(%arg7 : memref<16384xf32, #tpu.memory_space<vmem>>) target_semaphore(%arg11 : memref<!tpu.dma_semaphore, #tpu.memory_space<semaphore_mem>>)
    } else {
    }
    %scan3A = arith.constant 0 : i32
    %scan3A_12 = arith.constant 0 : i32
    %scan3A_13 = arith.constant 37 : i32
    %scan3A_14 = arith.addi %scan3A_12, %scan3A_13 : i32
    %scan3A_15 = arith.constant 1 : i32
    scf.for %scan3A_34 = %scan3A_12 to %scan3A_14 step %scan3A_15  : i32 {
      %mul3A_35 = arith.constant 2 : i32
      %mul3A_36 = arith.muli %mul3A_35, %scan3A_34 : i32
      %add3A_37 = arith.constant 0 : i32
      %add3A_38 = arith.addi %mul3A_36, %add3A_37 : i32
      %mul3A_39 = arith.constant 32 : i32
      %mul3A_40 = arith.muli %add3A_38, %mul3A_39 : i32
      %add3A_41 = arith.addi %mul3A_40, %add3A : i32
      %lt3A_42 = arith.constant 2352 : i32
      %lt3A_43 = arith.cmpi slt, %add3A_41, %lt3A_42 : i32
      %convert_element_type3A_44 = arith.extui %lt3A_43 : i1 to i32
      %cond3A_45 = arith.constant 0 : i32
      %cond3A_46 = arith.cmpi ne, %convert_element_type3A_44, %cond3A_45 : i32
      scf.if %cond3A_46 {
        %dma_wait3A = arith.constant 0 : i32
        %dma_wait3A_374 = tpu.memref_slice %arg2[%dma_wait3A] : memref<38535168xf32, #tpu.memory_space<hbm>> -> memref<16384xf32, #tpu.memory_space<hbm>>
        %dma_wait3A_375 = arith.constant 0 : i32
        %dma_wait3A_376 = tpu.memref_slice %arg2[%dma_wait3A_375] : memref<38535168xf32, #tpu.memory_space<hbm>> -> memref<16384xf32, #tpu.memory_space<hbm>>
        tpu.wait_dma2 semaphore(%arg10 : memref<!tpu.dma_semaphore, #tpu.memory_space<semaphore_mem>>) src(%dma_wait3A_376 : memref<16384xf32, #tpu.memory_space<hbm>>) dst(%arg6 : memref<16384xf32, #tpu.memory_space<vmem>>)
      } else {
      }
      %sub3A = arith.constant 2 : i32
      %sub3A_47 = arith.subi %add3A_38, %sub3A : i32
      %ge3A = arith.constant 0 : i32
      %ge3A_48 = arith.cmpi sge, %sub3A_47, %ge3A : i32
      %mul3A_49 = arith.constant 32 : i32
      %mul3A_50 = arith.muli %sub3A_47, %mul3A_49 : i32
      %add3A_51 = arith.addi %mul3A_50, %add3A : i32
      %lt3A_52 = arith.constant 2352 : i32
      %lt3A_53 = arith.cmpi slt, %add3A_51, %lt3A_52 : i32
      %and3A_54 = arith.andi %ge3A_48, %lt3A_53 : i1
      %convert_element_type3A_55 = arith.extui %and3A_54 : i1 to i32
      %cond3A_56 = arith.constant 0 : i32
      %cond3A_57 = arith.cmpi ne, %convert_element_type3A_55, %cond3A_56 : i32
      scf.if %cond3A_57 {
        %dma_wait3A = arith.constant 0 : i32
        %dma_wait3A_374 = tpu.memref_slice %arg4[%dma_wait3A] : memref<19267584xf32, #tpu.memory_space<hbm>> -> memref<8192xf32, #tpu.memory_space<hbm>>
        %dma_wait3A_375 = arith.constant 0 : i32
        %dma_wait3A_376 = tpu.memref_slice %arg4[%dma_wait3A_375] : memref<19267584xf32, #tpu.memory_space<hbm>> -> memref<8192xf32, #tpu.memory_space<hbm>>
        tpu.wait_dma2 semaphore(%arg12 : memref<!tpu.dma_semaphore, #tpu.memory_space<semaphore_mem>>) src(%arg8 : memref<8192xf32, #tpu.memory_space<vmem>>) dst(%dma_wait3A_376 : memref<8192xf32, #tpu.memory_space<hbm>>)
      } else {
      }
      %get3A = arith.constant 0 : index
      %get3A_58 = tpu.vector_load %arg5[%get3A] {strides = array<i32>} : memref<1024xi32, #tpu.memory_space<vmem>>, vector<16xi32>,
      %get3A_59 = arith.constant 16 : index
      %get3A_60 = tpu.vector_load %arg5[%get3A_59] {strides = array<i32>} : memref<1024xi32, #tpu.memory_space<vmem>>, vector<16xi32>,
      %get3A_61 = arith.constant 32 : index
      %get3A_62 = tpu.vector_load %arg5[%get3A_61] {strides = array<i32>} : memref<1024xi32, #tpu.memory_space<vmem>>, vector<16xi32>,
      %get3A_63 = arith.constant 48 : index
      %get3A_64 = tpu.vector_load %arg5[%get3A_63] {strides = array<i32>} : memref<1024xi32, #tpu.memory_space<vmem>>, vector<16xi32>,
      %get3A_65 = arith.constant 64 : index
      %get3A_66 = tpu.vector_load %arg5[%get3A_65] {strides = array<i32>} : memref<1024xi32, #tpu.memory_space<vmem>>, vector<16xi32>,
      %get3A_67 = arith.constant 80 : index
      %get3A_68 = tpu.vector_load %arg5[%get3A_67] {strides = array<i32>} : memref<1024xi32, #tpu.memory_space<vmem>>, vector<16xi32>,
      %get3A_69 = arith.constant 96 : index
      %get3A_70 = tpu.vector_load %arg5[%get3A_69] {strides = array<i32>} : memref<1024xi32, #tpu.memory_space<vmem>>, vector<16xi32>,
      %get3A_71 = arith.constant 112 : index
      %get3A_72 = tpu.vector_load %arg5[%get3A_71] {strides = array<i32>} : memref<1024xi32, #tpu.memory_space<vmem>>, vector<16xi32>,
      %get3A_73 = arith.constant 128 : index
      %get3A_74 = tpu.vector_load %arg5[%get3A_73] {strides = array<i32>} : memref<1024xi32, #tpu.memory_space<vmem>>, vector<16xi32>,
      %get3A_75 = arith.constant 144 : index
      %get3A_76 = tpu.vector_load %arg5[%get3A_75] {strides = array<i32>} : memref<1024xi32, #tpu.memory_space<vmem>>, vector<16xi32>,
      %get3A_77 = arith.constant 160 : index
      %get3A_78 = tpu.vector_load %arg5[%get3A_77] {strides = array<i32>} : memref<1024xi32, #tpu.memory_space<vmem>>, vector<16xi32>,
      %get3A_79 = arith.constant 176 : index
      %get3A_80 = tpu.vector_load %arg5[%get3A_79] {strides = array<i32>} : memref<1024xi32, #tpu.memory_space<vmem>>, vector<16xi32>,
      %get3A_81 = arith.constant 192 : index
      %get3A_82 = tpu.vector_load %arg5[%get3A_81] {strides = array<i32>} : memref<1024xi32, #tpu.memory_space<vmem>>, vector<16xi32>,
      %get3A_83 = arith.constant 208 : index
      %get3A_84 = tpu.vector_load %arg5[%get3A_83] {strides = array<i32>} : memref<1024xi32, #tpu.memory_space<vmem>>, vector<16xi32>,
      %get3A_85 = arith.constant 224 : index
      %get3A_86 = tpu.vector_load %arg5[%get3A_85] {strides = array<i32>} : memref<1024xi32, #tpu.memory_space<vmem>>, vector<16xi32>,
      %get3A_87 = arith.constant 240 : index
      %get3A_88 = tpu.vector_load %arg5[%get3A_87] {strides = array<i32>} : memref<1024xi32, #tpu.memory_space<vmem>>, vector<16xi32>,
      %get3A_89 = arith.constant 256 : index
      %get3A_90 = tpu.vector_load %arg5[%get3A_89] {strides = array<i32>} : memref<1024xi32, #tpu.memory_space<vmem>>, vector<16xi32>,
      %get3A_91 = arith.constant 272 : index
      %get3A_92 = tpu.vector_load %arg5[%get3A_91] {strides = array<i32>} : memref<1024xi32, #tpu.memory_space<vmem>>, vector<16xi32>,
      %get3A_93 = arith.constant 288 : index
      %get3A_94 = tpu.vector_load %arg5[%get3A_93] {strides = array<i32>} : memref<1024xi32, #tpu.memory_space<vmem>>, vector<16xi32>,
      %get3A_95 = arith.constant 304 : index
      %get3A_96 = tpu.vector_load %arg5[%get3A_95] {strides = array<i32>} : memref<1024xi32, #tpu.memory_space<vmem>>, vector<16xi32>,
      %get3A_97 = arith.constant 320 : index
      %get3A_98 = tpu.vector_load %arg5[%get3A_97] {strides = array<i32>} : memref<1024xi32, #tpu.memory_space<vmem>>, vector<16xi32>,
      %get3A_99 = arith.constant 336 : index
      %get3A_100 = tpu.vector_load %arg5[%get3A_99] {strides = array<i32>} : memref<1024xi32, #tpu.memory_space<vmem>>, vector<16xi32>,
      %get3A_101 = arith.constant 352 : index
      %get3A_102 = tpu.vector_load %arg5[%get3A_101] {strides = array<i32>} : memref<1024xi32, #tpu.memory_space<vmem>>, vector<16xi32>,
      %get3A_103 = arith.constant 368 : index
      %get3A_104 = tpu.vector_load %arg5[%get3A_103] {strides = array<i32>} : memref<1024xi32, #tpu.memory_space<vmem>>, vector<16xi32>,
      %get3A_105 = arith.constant 384 : index
      %get3A_106 = tpu.vector_load %arg5[%get3A_105] {strides = array<i32>} : memref<1024xi32, #tpu.memory_space<vmem>>, vector<16xi32>,
      %get3A_107 = arith.constant 400 : index
      %get3A_108 = tpu.vector_load %arg5[%get3A_107] {strides = array<i32>} : memref<1024xi32, #tpu.memory_space<vmem>>, vector<16xi32>,
      %get3A_109 = arith.constant 416 : index
      %get3A_110 = tpu.vector_load %arg5[%get3A_109] {strides = array<i32>} : memref<1024xi32, #tpu.memory_space<vmem>>, vector<16xi32>,
      %get3A_111 = arith.constant 432 : index
      %get3A_112 = tpu.vector_load %arg5[%get3A_111] {strides = array<i32>} : memref<1024xi32, #tpu.memory_space<vmem>>, vector<16xi32>,
      %get3A_113 = arith.constant 448 : index
      %get3A_114 = tpu.vector_load %arg5[%get3A_113] {strides = array<i32>} : memref<1024xi32, #tpu.memory_space<vmem>>, vector<16xi32>,
      %get3A_115 = arith.constant 464 : index
      %get3A_116 = tpu.vector_load %arg5[%get3A_115] {strides = array<i32>} : memref<1024xi32, #tpu.memory_space<vmem>>, vector<16xi32>,
      %get3A_117 = arith.constant 480 : index
      %get3A_118 = tpu.vector_load %arg5[%get3A_117] {strides = array<i32>} : memref<1024xi32, #tpu.memory_space<vmem>>, vector<16xi32>,
      %get3A_119 = arith.constant 496 : index
      %get3A_120 = tpu.vector_load %arg5[%get3A_119] {strides = array<i32>} : memref<1024xi32, #tpu.memory_space<vmem>>, vector<16xi32>,
      %get3A_121 = arith.constant 512 : index
      %get3A_122 = tpu.vector_load %arg5[%get3A_121] {strides = array<i32>} : memref<1024xi32, #tpu.memory_space<vmem>>, vector<16xi32>,
      %get3A_123 = arith.constant 528 : index
      %get3A_124 = tpu.vector_load %arg5[%get3A_123] {strides = array<i32>} : memref<1024xi32, #tpu.memory_space<vmem>>, vector<16xi32>,
      %get3A_125 = arith.constant 544 : index
      %get3A_126 = tpu.vector_load %arg5[%get3A_125] {strides = array<i32>} : memref<1024xi32, #tpu.memory_space<vmem>>, vector<16xi32>,
      %get3A_127 = arith.constant 560 : index
      %get3A_128 = tpu.vector_load %arg5[%get3A_127] {strides = array<i32>} : memref<1024xi32, #tpu.memory_space<vmem>>, vector<16xi32>,
      %get3A_129 = arith.constant 576 : index
      %get3A_130 = tpu.vector_load %arg5[%get3A_129] {strides = array<i32>} : memref<1024xi32, #tpu.memory_space<vmem>>, vector<16xi32>,
      %get3A_131 = arith.constant 592 : index
      %get3A_132 = tpu.vector_load %arg5[%get3A_131] {strides = array<i32>} : memref<1024xi32, #tpu.memory_space<vmem>>, vector<16xi32>,
      %get3A_133 = arith.constant 608 : index
      %get3A_134 = tpu.vector_load %arg5[%get3A_133] {strides = array<i32>} : memref<1024xi32, #tpu.memory_space<vmem>>, vector<16xi32>,
      %get3A_135 = arith.constant 624 : index
      %get3A_136 = tpu.vector_load %arg5[%get3A_135] {strides = array<i32>} : memref<1024xi32, #tpu.memory_space<vmem>>, vector<16xi32>,
      %get3A_137 = arith.constant 640 : index
      %get3A_138 = tpu.vector_load %arg5[%get3A_137] {strides = array<i32>} : memref<1024xi32, #tpu.memory_space<vmem>>, vector<16xi32>,
      %get3A_139 = arith.constant 656 : index
      %get3A_140 = tpu.vector_load %arg5[%get3A_139] {strides = array<i32>} : memref<1024xi32, #tpu.memory_space<vmem>>, vector<16xi32>,
      %get3A_141 = arith.constant 672 : index
      %get3A_142 = tpu.vector_load %arg5[%get3A_141] {strides = array<i32>} : memref<1024xi32, #tpu.memory_space<vmem>>, vector<16xi32>,
      %get3A_143 = arith.constant 688 : index
      %get3A_144 = tpu.vector_load %arg5[%get3A_143] {strides = array<i32>} : memref<1024xi32, #tpu.memory_space<vmem>>, vector<16xi32>,
      %get3A_145 = arith.constant 704 : index
      %get3A_146 = tpu.vector_load %arg5[%get3A_145] {strides = array<i32>} : memref<1024xi32, #tpu.memory_space<vmem>>, vector<16xi32>,
      %get3A_147 = arith.constant 720 : index
      %get3A_148 = tpu.vector_load %arg5[%get3A_147] {strides = array<i32>} : memref<1024xi32, #tpu.memory_space<vmem>>, vector<16xi32>,
      %get3A_149 = arith.constant 736 : index
      %get3A_150 = tpu.vector_load %arg5[%get3A_149] {strides = array<i32>} : memref<1024xi32, #tpu.memory_space<vmem>>, vector<16xi32>,
      %get3A_151 = arith.constant 752 : index
      %get3A_152 = tpu.vector_load %arg5[%get3A_151] {strides = array<i32>} : memref<1024xi32, #tpu.memory_space<vmem>>, vector<16xi32>,
      %get3A_153 = arith.constant 768 : index
      %get3A_154 = tpu.vector_load %arg5[%get3A_153] {strides = array<i32>} : memref<1024xi32, #tpu.memory_space<vmem>>, vector<16xi32>,
      %get3A_155 = arith.constant 784 : index
      %get3A_156 = tpu.vector_load %arg5[%get3A_155] {strides = array<i32>} : memref<1024xi32, #tpu.memory_space<vmem>>, vector<16xi32>,
      %get3A_157 = arith.constant 800 : index
      %get3A_158 = tpu.vector_load %arg5[%get3A_157] {strides = array<i32>} : memref<1024xi32, #tpu.memory_space<vmem>>, vector<16xi32>,
      %get3A_159 = arith.constant 816 : index
      %get3A_160 = tpu.vector_load %arg5[%get3A_159] {strides = array<i32>} : memref<1024xi32, #tpu.memory_space<vmem>>, vector<16xi32>,
      %get3A_161 = arith.constant 832 : index
      %get3A_162 = tpu.vector_load %arg5[%get3A_161] {strides = array<i32>} : memref<1024xi32, #tpu.memory_space<vmem>>, vector<16xi32>,
      %get3A_163 = arith.constant 848 : index
      %get3A_164 = tpu.vector_load %arg5[%get3A_163] {strides = array<i32>} : memref<1024xi32, #tpu.memory_space<vmem>>, vector<16xi32>,
      %get3A_165 = arith.constant 864 : index
      %get3A_166 = tpu.vector_load %arg5[%get3A_165] {strides = array<i32>} : memref<1024xi32, #tpu.memory_space<vmem>>, vector<16xi32>,
      %get3A_167 = arith.constant 880 : index
      %get3A_168 = tpu.vector_load %arg5[%get3A_167] {strides = array<i32>} : memref<1024xi32, #tpu.memory_space<vmem>>, vector<16xi32>,
      %get3A_169 = arith.constant 896 : index
      %get3A_170 = tpu.vector_load %arg5[%get3A_169] {strides = array<i32>} : memref<1024xi32, #tpu.memory_space<vmem>>, vector<16xi32>,
      %get3A_171 = arith.constant 912 : index
      %get3A_172 = tpu.vector_load %arg5[%get3A_171] {strides = array<i32>} : memref<1024xi32, #tpu.memory_space<vmem>>, vector<16xi32>,
      %get3A_173 = arith.constant 928 : index
      %get3A_174 = tpu.vector_load %arg5[%get3A_173] {strides = array<i32>} : memref<1024xi32, #tpu.memory_space<vmem>>, vector<16xi32>,
      %get3A_175 = arith.constant 944 : index
      %get3A_176 = tpu.vector_load %arg5[%get3A_175] {strides = array<i32>} : memref<1024xi32, #tpu.memory_space<vmem>>, vector<16xi32>,
      %get3A_177 = arith.constant 960 : index
      %get3A_178 = tpu.vector_load %arg5[%get3A_177] {strides = array<i32>} : memref<1024xi32, #tpu.memory_space<vmem>>, vector<16xi32>,
      %get3A_179 = arith.constant 976 : index
      %get3A_180 = tpu.vector_load %arg5[%get3A_179] {strides = array<i32>} : memref<1024xi32, #tpu.memory_space<vmem>>, vector<16xi32>,
      %get3A_181 = arith.constant 992 : index
      %get3A_182 = tpu.vector_load %arg5[%get3A_181] {strides = array<i32>} : memref<1024xi32, #tpu.memory_space<vmem>>, vector<16xi32>,
      %get3A_183 = arith.constant 1008 : index
      %get3A_184 = tpu.vector_load %arg5[%get3A_183] {strides = array<i32>} : memref<1024xi32, #tpu.memory_space<vmem>>, vector<16xi32>,
      %mul3A_185 = arith.constant 32 : i32
      %mul3A_186 = arith.muli %add3A_38, %mul3A_185 : i32
      %add3A_187 = arith.addi %mul3A_186, %add3A : i32
      %lt3A_188 = arith.constant 2352 : i32
      %lt3A_189 = arith.cmpi slt, %add3A_187, %lt3A_188 : i32
      %convert_element_type3A_190 = arith.extui %lt3A_189 : i1 to i32
      %cond3A_191 = arith.constant 0 : i32
      %cond3A_192 = arith.cmpi ne, %convert_element_type3A_190, %cond3A_191 : i32
      scf.if %cond3A_192 {
        %mul3A_374 = arith.constant 32 : i32
        %mul3A_375 = arith.muli %add3A_38, %mul3A_374 : i32
        %add3A_376 = arith.addi %mul3A_375, %add3A : i32
        %mul3A_377 = arith.constant 8192 : i32
        %mul3A_378 = arith.muli %add3A_376, %mul3A_377 : i32
        %dma_start3A = tpu.memref_slice %arg4[%mul3A_378] : memref<19267584xf32, #tpu.memory_space<hbm>> -> memref<8192xf32, #tpu.memory_space<hbm>>
        %dma_start3A_379 = tpu.memref_slice %arg4[%mul3A_378] : memref<19267584xf32, #tpu.memory_space<hbm>> -> memref<8192xf32, #tpu.memory_space<hbm>>
        tpu.enqueue_dma source(%arg8 : memref<8192xf32, #tpu.memory_space<vmem>>) target(%dma_start3A_379 : memref<8192xf32, #tpu.memory_space<hbm>>) target_semaphore(%arg12 : memref<!tpu.dma_semaphore, #tpu.memory_space<semaphore_mem>>)
      } else {
      }
      %add3A_193 = arith.constant 2 : i32
      %add3A_194 = arith.addi %add3A_38, %add3A_193 : i32
      %mul3A_195 = arith.constant 32 : i32
      %mul3A_196 = arith.muli %add3A_194, %mul3A_195 : i32
      %add3A_197 = arith.addi %mul3A_196, %add3A : i32
      %lt3A_198 = arith.constant 2352 : i32
      %lt3A_199 = arith.cmpi slt, %add3A_197, %lt3A_198 : i32
      %convert_element_type3A_200 = arith.extui %lt3A_199 : i1 to i32
      %cond3A_201 = arith.constant 0 : i32
      %cond3A_202 = arith.cmpi ne, %convert_element_type3A_200, %cond3A_201 : i32
      scf.if %cond3A_202 {
        %mul3A_374 = arith.constant 32 : i32
        %mul3A_375 = arith.muli %add3A_194, %mul3A_374 : i32
        %add3A_376 = arith.addi %mul3A_375, %add3A : i32
        %mul3A_377 = arith.constant 16384 : i32
        %mul3A_378 = arith.muli %add3A_376, %mul3A_377 : i32
        %dma_start3A = tpu.memref_slice %arg2[%mul3A_378] : memref<38535168xf32, #tpu.memory_space<hbm>> -> memref<16384xf32, #tpu.memory_space<hbm>>
        %dma_start3A_379 = tpu.memref_slice %arg2[%mul3A_378] : memref<38535168xf32, #tpu.memory_space<hbm>> -> memref<16384xf32, #tpu.memory_space<hbm>>
        tpu.enqueue_dma source(%dma_start3A_379 : memref<16384xf32, #tpu.memory_space<hbm>>) target(%arg6 : memref<16384xf32, #tpu.memory_space<vmem>>) target_semaphore(%arg10 : memref<!tpu.dma_semaphore, #tpu.memory_space<semaphore_mem>>)
      } else {
      }
      %mul3A_203 = arith.constant 2 : i32
      %mul3A_204 = arith.muli %mul3A_203, %scan3A_34 : i32
      %add3A_205 = arith.constant 1 : i32
      %add3A_206 = arith.addi %mul3A_204, %add3A_205 : i32
      %mul3A_207 = arith.constant 32 : i32
      %mul3A_208 = arith.muli %add3A_206, %mul3A_207 : i32
      %add3A_209 = arith.addi %mul3A_208, %add3A : i32
      %lt3A_210 = arith.constant 2352 : i32
      %lt3A_211 = arith.cmpi slt, %add3A_209, %lt3A_210 : i32
      %convert_element_type3A_212 = arith.extui %lt3A_211 : i1 to i32
      %cond3A_213 = arith.constant 0 : i32
      %cond3A_214 = arith.cmpi ne, %convert_element_type3A_212, %cond3A_213 : i32
      scf.if %cond3A_214 {
        %dma_wait3A = arith.constant 0 : i32
        %dma_wait3A_374 = tpu.memref_slice %arg2[%dma_wait3A] : memref<38535168xf32, #tpu.memory_space<hbm>> -> memref<16384xf32, #tpu.memory_space<hbm>>
        %dma_wait3A_375 = arith.constant 0 : i32
        %dma_wait3A_376 = tpu.memref_slice %arg2[%dma_wait3A_375] : memref<38535168xf32, #tpu.memory_space<hbm>> -> memref<16384xf32, #tpu.memory_space<hbm>>
        tpu.wait_dma2 semaphore(%arg11 : memref<!tpu.dma_semaphore, #tpu.memory_space<semaphore_mem>>) src(%dma_wait3A_376 : memref<16384xf32, #tpu.memory_space<hbm>>) dst(%arg7 : memref<16384xf32, #tpu.memory_space<vmem>>)
      } else {
      }
      %sub3A_215 = arith.constant 2 : i32
      %sub3A_216 = arith.subi %add3A_206, %sub3A_215 : i32
      %ge3A_217 = arith.constant 0 : i32
      %ge3A_218 = arith.cmpi sge, %sub3A_216, %ge3A_217 : i32
      %mul3A_219 = arith.constant 32 : i32
      %mul3A_220 = arith.muli %sub3A_216, %mul3A_219 : i32
      %add3A_221 = arith.addi %mul3A_220, %add3A : i32
      %lt3A_222 = arith.constant 2352 : i32
      %lt3A_223 = arith.cmpi slt, %add3A_221, %lt3A_222 : i32
      %and3A_224 = arith.andi %ge3A_218, %lt3A_223 : i1
      %convert_element_type3A_225 = arith.extui %and3A_224 : i1 to i32
      %cond3A_226 = arith.constant 0 : i32
      %cond3A_227 = arith.cmpi ne, %convert_element_type3A_225, %cond3A_226 : i32
      scf.if %cond3A_227 {
        %dma_wait3A = arith.constant 0 : i32
        %dma_wait3A_374 = tpu.memref_slice %arg4[%dma_wait3A] : memref<19267584xf32, #tpu.memory_space<hbm>> -> memref<8192xf32, #tpu.memory_space<hbm>>
        %dma_wait3A_375 = arith.constant 0 : i32
        %dma_wait3A_376 = tpu.memref_slice %arg4[%dma_wait3A_375] : memref<19267584xf32, #tpu.memory_space<hbm>> -> memref<8192xf32, #tpu.memory_space<hbm>>
        tpu.wait_dma2 semaphore(%arg13 : memref<!tpu.dma_semaphore, #tpu.memory_space<semaphore_mem>>) src(%arg9 : memref<8192xf32, #tpu.memory_space<vmem>>) dst(%dma_wait3A_376 : memref<8192xf32, #tpu.memory_space<hbm>>)
      } else {
      }
      %get3A_228 = arith.constant 0 : index
      %get3A_229 = tpu.vector_load %arg5[%get3A_228] {strides = array<i32>} : memref<1024xi32, #tpu.memory_space<vmem>>, vector<16xi32>,
      %get3A_230 = arith.constant 16 : index
      %get3A_231 = tpu.vector_load %arg5[%get3A_230] {strides = array<i32>} : memref<1024xi32, #tpu.memory_space<vmem>>, vector<16xi32>,
      %get3A_232 = arith.constant 32 : index
      %get3A_233 = tpu.vector_load %arg5[%get3A_232] {strides = array<i32>} : memref<1024xi32, #tpu.memory_space<vmem>>, vector<16xi32>,
      %get3A_234 = arith.constant 48 : index
      %get3A_235 = tpu.vector_load %arg5[%get3A_234] {strides = array<i32>} : memref<1024xi32, #tpu.memory_space<vmem>>, vector<16xi32>,
      %get3A_236 = arith.constant 64 : index
      %get3A_237 = tpu.vector_load %arg5[%get3A_236] {strides = array<i32>} : memref<1024xi32, #tpu.memory_space<vmem>>, vector<16xi32>,
      %get3A_238 = arith.constant 80 : index
      %get3A_239 = tpu.vector_load %arg5[%get3A_238] {strides = array<i32>} : memref<1024xi32, #tpu.memory_space<vmem>>, vector<16xi32>,
      %get3A_240 = arith.constant 96 : index
      %get3A_241 = tpu.vector_load %arg5[%get3A_240] {strides = array<i32>} : memref<1024xi32, #tpu.memory_space<vmem>>, vector<16xi32>,
      %get3A_242 = arith.constant 112 : index
      %get3A_243 = tpu.vector_load %arg5[%get3A_242] {strides = array<i32>} : memref<1024xi32, #tpu.memory_space<vmem>>, vector<16xi32>,
      %get3A_244 = arith.constant 128 : index
      %get3A_245 = tpu.vector_load %arg5[%get3A_244] {strides = array<i32>} : memref<1024xi32, #tpu.memory_space<vmem>>, vector<16xi32>,
      %get3A_246 = arith.constant 144 : index
      %get3A_247 = tpu.vector_load %arg5[%get3A_246] {strides = array<i32>} : memref<1024xi32, #tpu.memory_space<vmem>>, vector<16xi32>,
      %get3A_248 = arith.constant 160 : index
      %get3A_249 = tpu.vector_load %arg5[%get3A_248] {strides = array<i32>} : memref<1024xi32, #tpu.memory_space<vmem>>, vector<16xi32>,
      %get3A_250 = arith.constant 176 : index
      %get3A_251 = tpu.vector_load %arg5[%get3A_250] {strides = array<i32>} : memref<1024xi32, #tpu.memory_space<vmem>>, vector<16xi32>,
      %get3A_252 = arith.constant 192 : index
      %get3A_253 = tpu.vector_load %arg5[%get3A_252] {strides = array<i32>} : memref<1024xi32, #tpu.memory_space<vmem>>, vector<16xi32>,
      %get3A_254 = arith.constant 208 : index
      %get3A_255 = tpu.vector_load %arg5[%get3A_254] {strides = array<i32>} : memref<1024xi32, #tpu.memory_space<vmem>>, vector<16xi32>,
      %get3A_256 = arith.constant 224 : index
      %get3A_257 = tpu.vector_load %arg5[%get3A_256] {strides = array<i32>} : memref<1024xi32, #tpu.memory_space<vmem>>, vector<16xi32>,
      %get3A_258 = arith.constant 240 : index
      %get3A_259 = tpu.vector_load %arg5[%get3A_258] {strides = array<i32>} : memref<1024xi32, #tpu.memory_space<vmem>>, vector<16xi32>,
      %get3A_260 = arith.constant 256 : index
      %get3A_261 = tpu.vector_load %arg5[%get3A_260] {strides = array<i32>} : memref<1024xi32, #tpu.memory_space<vmem>>, vector<16xi32>,
      %get3A_262 = arith.constant 272 : index
      %get3A_263 = tpu.vector_load %arg5[%get3A_262] {strides = array<i32>} : memref<1024xi32, #tpu.memory_space<vmem>>, vector<16xi32>,
      %get3A_264 = arith.constant 288 : index
      %get3A_265 = tpu.vector_load %arg5[%get3A_264] {strides = array<i32>} : memref<1024xi32, #tpu.memory_space<vmem>>, vector<16xi32>,
      %get3A_266 = arith.constant 304 : index
      %get3A_267 = tpu.vector_load %arg5[%get3A_266] {strides = array<i32>} : memref<1024xi32, #tpu.memory_space<vmem>>, vector<16xi32>,
      %get3A_268 = arith.constant 320 : index
      %get3A_269 = tpu.vector_load %arg5[%get3A_268] {strides = array<i32>} : memref<1024xi32, #tpu.memory_space<vmem>>, vector<16xi32>,
      %get3A_270 = arith.constant 336 : index
      %get3A_271 = tpu.vector_load %arg5[%get3A_270] {strides = array<i32>} : memref<1024xi32, #tpu.memory_space<vmem>>, vector<16xi32>,
      %get3A_272 = arith.constant 352 : index
      %get3A_273 = tpu.vector_load %arg5[%get3A_272] {strides = array<i32>} : memref<1024xi32, #tpu.memory_space<vmem>>, vector<16xi32>,
      %get3A_274 = arith.constant 368 : index
      %get3A_275 = tpu.vector_load %arg5[%get3A_274] {strides = array<i32>} : memref<1024xi32, #tpu.memory_space<vmem>>, vector<16xi32>,
      %get3A_276 = arith.constant 384 : index
      %get3A_277 = tpu.vector_load %arg5[%get3A_276] {strides = array<i32>} : memref<1024xi32, #tpu.memory_space<vmem>>, vector<16xi32>,
      %get3A_278 = arith.constant 400 : index
      %get3A_279 = tpu.vector_load %arg5[%get3A_278] {strides = array<i32>} : memref<1024xi32, #tpu.memory_space<vmem>>, vector<16xi32>,
      %get3A_280 = arith.constant 416 : index
      %get3A_281 = tpu.vector_load %arg5[%get3A_280] {strides = array<i32>} : memref<1024xi32, #tpu.memory_space<vmem>>, vector<16xi32>,
      %get3A_282 = arith.constant 432 : index
      %get3A_283 = tpu.vector_load %arg5[%get3A_282] {strides = array<i32>} : memref<1024xi32, #tpu.memory_space<vmem>>, vector<16xi32>,
      %get3A_284 = arith.constant 448 : index
      %get3A_285 = tpu.vector_load %arg5[%get3A_284] {strides = array<i32>} : memref<1024xi32, #tpu.memory_space<vmem>>, vector<16xi32>,
      %get3A_286 = arith.constant 464 : index
      %get3A_287 = tpu.vector_load %arg5[%get3A_286] {strides = array<i32>} : memref<1024xi32, #tpu.memory_space<vmem>>, vector<16xi32>,
      %get3A_288 = arith.constant 480 : index
      %get3A_289 = tpu.vector_load %arg5[%get3A_288] {strides = array<i32>} : memref<1024xi32, #tpu.memory_space<vmem>>, vector<16xi32>,
      %get3A_290 = arith.constant 496 : index
      %get3A_291 = tpu.vector_load %arg5[%get3A_290] {strides = array<i32>} : memref<1024xi32, #tpu.memory_space<vmem>>, vector<16xi32>,
      %get3A_292 = arith.constant 512 : index
      %get3A_293 = tpu.vector_load %arg5[%get3A_292] {strides = array<i32>} : memref<1024xi32, #tpu.memory_space<vmem>>, vector<16xi32>,
      %get3A_294 = arith.constant 528 : index
      %get3A_295 = tpu.vector_load %arg5[%get3A_294] {strides = array<i32>} : memref<1024xi32, #tpu.memory_space<vmem>>, vector<16xi32>,
      %get3A_296 = arith.constant 544 : index
      %get3A_297 = tpu.vector_load %arg5[%get3A_296] {strides = array<i32>} : memref<1024xi32, #tpu.memory_space<vmem>>, vector<16xi32>,
      %get3A_298 = arith.constant 560 : index
      %get3A_299 = tpu.vector_load %arg5[%get3A_298] {strides = array<i32>} : memref<1024xi32, #tpu.memory_space<vmem>>, vector<16xi32>,
      %get3A_300 = arith.constant 576 : index
      %get3A_301 = tpu.vector_load %arg5[%get3A_300] {strides = array<i32>} : memref<1024xi32, #tpu.memory_space<vmem>>, vector<16xi32>,
      %get3A_302 = arith.constant 592 : index
      %get3A_303 = tpu.vector_load %arg5[%get3A_302] {strides = array<i32>} : memref<1024xi32, #tpu.memory_space<vmem>>, vector<16xi32>,
      %get3A_304 = arith.constant 608 : index
      %get3A_305 = tpu.vector_load %arg5[%get3A_304] {strides = array<i32>} : memref<1024xi32, #tpu.memory_space<vmem>>, vector<16xi32>,
      %get3A_306 = arith.constant 624 : index
      %get3A_307 = tpu.vector_load %arg5[%get3A_306] {strides = array<i32>} : memref<1024xi32, #tpu.memory_space<vmem>>, vector<16xi32>,
      %get3A_308 = arith.constant 640 : index
      %get3A_309 = tpu.vector_load %arg5[%get3A_308] {strides = array<i32>} : memref<1024xi32, #tpu.memory_space<vmem>>, vector<16xi32>,
      %get3A_310 = arith.constant 656 : index
      %get3A_311 = tpu.vector_load %arg5[%get3A_310] {strides = array<i32>} : memref<1024xi32, #tpu.memory_space<vmem>>, vector<16xi32>,
      %get3A_312 = arith.constant 672 : index
      %get3A_313 = tpu.vector_load %arg5[%get3A_312] {strides = array<i32>} : memref<1024xi32, #tpu.memory_space<vmem>>, vector<16xi32>,
      %get3A_314 = arith.constant 688 : index
      %get3A_315 = tpu.vector_load %arg5[%get3A_314] {strides = array<i32>} : memref<1024xi32, #tpu.memory_space<vmem>>, vector<16xi32>,
      %get3A_316 = arith.constant 704 : index
      %get3A_317 = tpu.vector_load %arg5[%get3A_316] {strides = array<i32>} : memref<1024xi32, #tpu.memory_space<vmem>>, vector<16xi32>,
      %get3A_318 = arith.constant 720 : index
      %get3A_319 = tpu.vector_load %arg5[%get3A_318] {strides = array<i32>} : memref<1024xi32, #tpu.memory_space<vmem>>, vector<16xi32>,
      %get3A_320 = arith.constant 736 : index
      %get3A_321 = tpu.vector_load %arg5[%get3A_320] {strides = array<i32>} : memref<1024xi32, #tpu.memory_space<vmem>>, vector<16xi32>,
      %get3A_322 = arith.constant 752 : index
      %get3A_323 = tpu.vector_load %arg5[%get3A_322] {strides = array<i32>} : memref<1024xi32, #tpu.memory_space<vmem>>, vector<16xi32>,
      %get3A_324 = arith.constant 768 : index
      %get3A_325 = tpu.vector_load %arg5[%get3A_324] {strides = array<i32>} : memref<1024xi32, #tpu.memory_space<vmem>>, vector<16xi32>,
      %get3A_326 = arith.constant 784 : index
      %get3A_327 = tpu.vector_load %arg5[%get3A_326] {strides = array<i32>} : memref<1024xi32, #tpu.memory_space<vmem>>, vector<16xi32>,
      %get3A_328 = arith.constant 800 : index
      %get3A_329 = tpu.vector_load %arg5[%get3A_328] {strides = array<i32>} : memref<1024xi32, #tpu.memory_space<vmem>>, vector<16xi32>,
      %get3A_330 = arith.constant 816 : index
      %get3A_331 = tpu.vector_load %arg5[%get3A_330] {strides = array<i32>} : memref<1024xi32, #tpu.memory_space<vmem>>, vector<16xi32>,
      %get3A_332 = arith.constant 832 : index
      %get3A_333 = tpu.vector_load %arg5[%get3A_332] {strides = array<i32>} : memref<1024xi32, #tpu.memory_space<vmem>>, vector<16xi32>,
      %get3A_334 = arith.constant 848 : index
      %get3A_335 = tpu.vector_load %arg5[%get3A_334] {strides = array<i32>} : memref<1024xi32, #tpu.memory_space<vmem>>, vector<16xi32>,
      %get3A_336 = arith.constant 864 : index
      %get3A_337 = tpu.vector_load %arg5[%get3A_336] {strides = array<i32>} : memref<1024xi32, #tpu.memory_space<vmem>>, vector<16xi32>,
      %get3A_338 = arith.constant 880 : index
      %get3A_339 = tpu.vector_load %arg5[%get3A_338] {strides = array<i32>} : memref<1024xi32, #tpu.memory_space<vmem>>, vector<16xi32>,
      %get3A_340 = arith.constant 896 : index
      %get3A_341 = tpu.vector_load %arg5[%get3A_340] {strides = array<i32>} : memref<1024xi32, #tpu.memory_space<vmem>>, vector<16xi32>,
      %get3A_342 = arith.constant 912 : index
      %get3A_343 = tpu.vector_load %arg5[%get3A_342] {strides = array<i32>} : memref<1024xi32, #tpu.memory_space<vmem>>, vector<16xi32>,
      %get3A_344 = arith.constant 928 : index
      %get3A_345 = tpu.vector_load %arg5[%get3A_344] {strides = array<i32>} : memref<1024xi32, #tpu.memory_space<vmem>>, vector<16xi32>,
      %get3A_346 = arith.constant 944 : index
      %get3A_347 = tpu.vector_load %arg5[%get3A_346] {strides = array<i32>} : memref<1024xi32, #tpu.memory_space<vmem>>, vector<16xi32>,
      %get3A_348 = arith.constant 960 : index
      %get3A_349 = tpu.vector_load %arg5[%get3A_348] {strides = array<i32>} : memref<1024xi32, #tpu.memory_space<vmem>>, vector<16xi32>,
      %get3A_350 = arith.constant 976 : index
      %get3A_351 = tpu.vector_load %arg5[%get3A_350] {strides = array<i32>} : memref<1024xi32, #tpu.memory_space<vmem>>, vector<16xi32>,
      %get3A_352 = arith.constant 992 : index
      %get3A_353 = tpu.vector_load %arg5[%get3A_352] {strides = array<i32>} : memref<1024xi32, #tpu.memory_space<vmem>>, vector<16xi32>,
      %get3A_354 = arith.constant 1008 : index
      %get3A_355 = tpu.vector_load %arg5[%get3A_354] {strides = array<i32>} : memref<1024xi32, #tpu.memory_space<vmem>>, vector<16xi32>,
      %mul3A_356 = arith.constant 32 : i32
      %mul3A_357 = arith.muli %add3A_206, %mul3A_356 : i32
      %add3A_358 = arith.addi %mul3A_357, %add3A : i32
      %lt3A_359 = arith.constant 2352 : i32
      %lt3A_360 = arith.cmpi slt, %add3A_358, %lt3A_359 : i32
      %convert_element_type3A_361 = arith.extui %lt3A_360 : i1 to i32
      %cond3A_362 = arith.constant 0 : i32
      %cond3A_363 = arith.cmpi ne, %convert_element_type3A_361, %cond3A_362 : i32
      scf.if %cond3A_363 {
        %mul3A_374 = arith.constant 32 : i32
        %mul3A_375 = arith.muli %add3A_206, %mul3A_374 : i32
        %add3A_376 = arith.addi %mul3A_375, %add3A : i32
        %mul3A_377 = arith.constant 8192 : i32
        %mul3A_378 = arith.muli %add3A_376, %mul3A_377 : i32
        %dma_start3A = tpu.memref_slice %arg4[%mul3A_378] : memref<19267584xf32, #tpu.memory_space<hbm>> -> memref<8192xf32, #tpu.memory_space<hbm>>
        %dma_start3A_379 = tpu.memref_slice %arg4[%mul3A_378] : memref<19267584xf32, #tpu.memory_space<hbm>> -> memref<8192xf32, #tpu.memory_space<hbm>>
        tpu.enqueue_dma source(%arg9 : memref<8192xf32, #tpu.memory_space<vmem>>) target(%dma_start3A_379 : memref<8192xf32, #tpu.memory_space<hbm>>) target_semaphore(%arg13 : memref<!tpu.dma_semaphore, #tpu.memory_space<semaphore_mem>>)
      } else {
      }
      %add3A_364 = arith.constant 2 : i32
      %add3A_365 = arith.addi %add3A_206, %add3A_364 : i32
      %mul3A_366 = arith.constant 32 : i32
      %mul3A_367 = arith.muli %add3A_365, %mul3A_366 : i32
      %add3A_368 = arith.addi %mul3A_367, %add3A : i32
      %lt3A_369 = arith.constant 2352 : i32
      %lt3A_370 = arith.cmpi slt, %add3A_368, %lt3A_369 : i32
      %convert_element_type3A_371 = arith.extui %lt3A_370 : i1 to i32
      %cond3A_372 = arith.constant 0 : i32
      %cond3A_373 = arith.cmpi ne, %convert_element_type3A_371, %cond3A_372 : i32
      scf.if %cond3A_373 {
        %mul3A_374 = arith.constant 32 : i32
        %mul3A_375 = arith.muli %add3A_365, %mul3A_374 : i32
        %add3A_376 = arith.addi %mul3A_375, %add3A : i32
        %mul3A_377 = arith.constant 16384 : i32
        %mul3A_378 = arith.muli %add3A_376, %mul3A_377 : i32
        %dma_start3A = tpu.memref_slice %arg2[%mul3A_378] : memref<38535168xf32, #tpu.memory_space<hbm>> -> memref<16384xf32, #tpu.memory_space<hbm>>
        %dma_start3A_379 = tpu.memref_slice %arg2[%mul3A_378] : memref<38535168xf32, #tpu.memory_space<hbm>> -> memref<16384xf32, #tpu.memory_space<hbm>>
        tpu.enqueue_dma source(%dma_start3A_379 : memref<16384xf32, #tpu.memory_space<hbm>>) target(%arg7 : memref<16384xf32, #tpu.memory_space<vmem>>) target_semaphore(%arg11 : memref<!tpu.dma_semaphore, #tpu.memory_space<semaphore_mem>>)
      } else {
      }
    }
    %scan3A_16 = arith.constant 37 : i32
    %add3A_17 = arith.constant 2304 : i32
    %add3A_18 = arith.addi %add3A_17, %add3A : i32
    %lt3A_19 = arith.constant 2352 : i32
    %lt3A_20 = arith.cmpi slt, %add3A_18, %lt3A_19 : i32
    %and3A = arith.constant true
    %and3A_21 = arith.andi %and3A, %lt3A_20 : i1
    %convert_element_type3A_22 = arith.extui %and3A_21 : i1 to i32
    %cond3A_23 = arith.constant 0 : i32
    %cond3A_24 = arith.cmpi ne, %convert_element_type3A_22, %cond3A_23 : i32
    scf.if %cond3A_24 {
      %dma_wait3A = arith.constant 0 : i32
      %dma_wait3A_34 = tpu.memref_slice %arg4[%dma_wait3A] : memref<19267584xf32, #tpu.memory_space<hbm>> -> memref<8192xf32, #tpu.memory_space<hbm>>
      %dma_wait3A_35 = arith.constant 0 : i32
      %dma_wait3A_36 = tpu.memref_slice %arg4[%dma_wait3A_35] : memref<19267584xf32, #tpu.memory_space<hbm>> -> memref<8192xf32, #tpu.memory_space<hbm>>
      tpu.wait_dma2 semaphore(%arg12 : memref<!tpu.dma_semaphore, #tpu.memory_space<semaphore_mem>>) src(%arg8 : memref<8192xf32, #tpu.memory_space<vmem>>) dst(%dma_wait3A_36 : memref<8192xf32, #tpu.memory_space<hbm>>)
    } else {
    }
    %add3A_25 = arith.constant 2336 : i32
    %add3A_26 = arith.addi %add3A_25, %add3A : i32
    %lt3A_27 = arith.constant 2352 : i32
    %lt3A_28 = arith.cmpi slt, %add3A_26, %lt3A_27 : i32
    %and3A_29 = arith.constant true
    %and3A_30 = arith.andi %and3A_29, %lt3A_28 : i1
    %convert_element_type3A_31 = arith.extui %and3A_30 : i1 to i32
    %cond3A_32 = arith.constant 0 : i32
    %cond3A_33 = arith.cmpi ne, %convert_element_type3A_31, %cond3A_32 : i32
    scf.if %cond3A_33 {
      %dma_wait3A = arith.constant 0 : i32
      %dma_wait3A_34 = tpu.memref_slice %arg4[%dma_wait3A] : memref<19267584xf32, #tpu.memory_space<hbm>> -> memref<8192xf32, #tpu.memory_space<hbm>>
      %dma_wait3A_35 = arith.constant 0 : i32
      %dma_wait3A_36 = tpu.memref_slice %arg4[%dma_wait3A_35] : memref<19267584xf32, #tpu.memory_space<hbm>> -> memref<8192xf32, #tpu.memory_space<hbm>>
      tpu.wait_dma2 semaphore(%arg13 : memref<!tpu.dma_semaphore, #tpu.memory_space<semaphore_mem>>) src(%arg9 : memref<8192xf32, #tpu.memory_space<vmem>>) dst(%dma_wait3A_36 : memref<8192xf32, #tpu.memory_space<hbm>>)
    } else {
    }
    return
  }
}

</mosaic_0001>

<sc_bundles>
// kernel: kernel.3.cloned.1.call-start
scs
__scs_entry_jumppad:
0x0: {  	(pc) =	sbr.rel $0x88, $3  }
0x1: {  	(tag) =	ssettag $0x0;
	lr =	simm.s32 $0x1  }
0x2: {  	[smem:$0x3FA0] =	sst lr;
	_ =	strace $0xD0000000  }
0x3: {  	_ = 	snop  }
0x4: {  	_ = 	snop  }
0x5: {  	_ = 	snop  }
0x6: {  	_ = 	snop  }
0x7: {  	_ = 	snop  }
__scs_overlays_trampoline_lowered:
0x8: {  	[smem:$0x3FAF] =	sst s0  }
0x9: {  	[smem:$0x3FB0] =	sst s1  }
0xa: {  	[smem:$0x3FB1] =	sst s2  }
0xb: {  	[smem:$0x3FB2] =	sst s3  }
0xc: {  	[smem:$0x3FB3] =	sst s4  }
0xd: {  	[smem:$0x3FB4] =	sst s5  }
0xe: {  	[smem:$0x3FB5] =	sst s6  }
0xf: {  	[smem:$0x3FB6] =	sst s7  }
0x10: {  	[smem:$0x3FB7] =	sst s8  }
0x11: {  	[smem:$0x3FB8] =	sst s9;
	s0 =	simm.s32 @!p0 $0x0  }
0x12: {  	s1 =	sld [smem:$0x3F9E];
	s0 =	simm.s32 @p0 $0x1  }
0x13: {  	[smem:$0x3FB9] =	sst s0;
	s0 =	simm.s32 @!p1 $0x0  }
0x14: {  	s2 =	sld [smem:$0x3F9D];
	s0 =	simm.s32 @p1 $0x1  }
0x15: {  	[smem:$0x3FBA] =	sst s0;
	s0 =	simm.s32 @!p2 $0x0  }
0x16: {  	s3 =	sld [smem:$0x3FDB];
	s0 =	simm.s32 @p2 $0x1  }
0x17: {  	s4 =	simm.s32 $0x1BF5;
	[smem:$0x3FBC] =	sst s0  }
0x18: {  	s0 =	sld [smem:$0x3F9F];
	_ =	swait.ge [sflag:s4], $0x0  }
0x19: {  	s7 =	sld [smem:$0x3FA0]  }
0x1a: {  	s8 =	sadd.s32 $0xFFFFE003, lr  }
0x1b: {  	s9 =	sadd.s32 $0xFFFFFEF7, lr;
	s5 =	simm.s32 $0xFFFFFFFF;
	p2 =	slt.u32 s8, $0xFFFFF086  }
0x1c: {  	p1 =	slt.u32 s9, $0xF7A;
	s5 =	simm.s32 @!p2 $0x0  }
0x1d: {  	s5 =	simm.s32 @p1 $0x1;
	p0 =	seq.s32 s7, s2  }
0x1e: {  	s7 =	smul.u32 @!p0 $0xF7A, s2;
	p2 =	seq.s32 @!p0 s5, $0x0  }
0x1f: {  	s9 =	smul.u32 $0xF7A, s1;
	s8 =	simm.s32 @!p0 $0x1BF5;
	p2 =	por !p2, p0  }
0x20: {  	[sflag:s8] =	ssyncset.s32 @!p0 $0xFFFFF086;
	s6 =	sadd.s32 @!p0 s3, s7;
	s7 =	simm.s32 @!p0 $0x108  }
0x21: {  	s3 =	sadd.s32 s3, s9;
	s6 =	sadd.s32 @!p0 $0x88, s6;
	s7 =	simm.s32 @p2 $0x1082  }
0x22: {  	[simem:s7], [sflag:s8] =	dma.local @!p0 [hbm:s6], $0xF7A  }
0x23: {  	s9 =	sor.u32 $0xD0000000, s2;
	s6 =	simm.s32 $0x108;
	_ =	swait.ge @!p0 [sflag:s8], $0x0  }
0x24: {  	s3 =	sadd.s32 $0x88, s3;
	s6 =	simm.s32 @!p1 $0x1082;
	[sflag:s4] =	ssyncset.s32 $0xFFFFF086  }
0x25: {  	[simem:s6], [sflag:s4] =	dma.local [hbm:s3], $0xF7A  }
0x26: {  	[smem:$0x3FA0] =	sst s1;
	(tag) =	ssettag s2;
	_ =	strace s9  }
0x27: {  	s1 =	sld [smem:$0x3FB0]  }
0x28: {  	s2 =	sld [smem:$0x3FB1]  }
0x29: {  	s4 =	sld [smem:$0x3FB3]  }
0x2a: {  	p0 =	seq.s32 s5, $0x0;
	s5 =	sld [smem:$0x3FB4]  }
0x2b: {  	s6 =	sld [smem:$0x3FB5]  }
0x2c: {  	s7 =	sld [smem:$0x3FB6]  }
0x2d: {  	s3 =	simm.s32 $0x108;
	s8 =	sld [smem:$0x3FB7]  }
0x2e: {  	s3 =	simm.s32 @!p0 $0x1082;
	s9 =	sld [smem:$0x3FB8]  }
0x2f: {  	lr =	sadd.s32 s0, s3;
	s0 =	sld [smem:$0x3FAF]  }
0x30: {  	s3 =	sld [smem:$0x3FB2]  }
0x31: {  	[smem:$0x3FBB] =	sst s10  }
0x32: {  	s10 =	sld [smem:$0x3FB9];
	_ =	sdelay $0x3  }
0x33: {  	p0 =	seq.s32 s10, $0x1;
	s10 =	sld [smem:$0x3FBB];
	_ =	sdelay $0x3  }
0x34: {  	[smem:$0x3FBB] =	sst s10  }
0x35: {  	s10 =	sld [smem:$0x3FBA];
	_ =	sdelay $0x3  }
0x36: {  	p1 =	seq.s32 s10, $0x1;
	s10 =	sld [smem:$0x3FBB];
	_ =	sdelay $0x3  }
0x37: {  	[smem:$0x3FBB] =	sst s10  }
0x38: {  	s10 =	sld [smem:$0x3FBC]  }
0x39: {  	_ = 	snop;
	(pc) =	sbr.ind lr, $3  }
0x3a: {  	_ = 	snop  }
0x3b: {  	_ = 	snop  }
0x3c: {  	p2 =	seq.s32 s10, $0x1;
	s10 =	sld [smem:$0x3FBB]  }
0x3d: {  	_ =	shalt  }
0x3e: {  	_ =	shalt  }
0x3f: {  	_ =	shalt  }
0x40: {  	_ =	shalt  }
0x41: {  	_ =	shalt  }
0x42: {  	_ =	shalt  }
0x43: {  	_ =	shalt  }
0x44: {  	_ =	shalt  }
0x45: {  	_ =	shalt  }
0x46: {  	_ =	shalt  }
0x47: {  	_ =	shalt  }
0x48: {  	_ =	shalt  }
0x49: {  	_ =	shalt  }
0x4a: {  	_ =	shalt  }
0x4b: {  	_ =	shalt  }
0x4c: {  	_ =	shalt  }
0x4d: {  	_ =	shalt  }
0x4e: {  	_ =	shalt  }
0x4f: {  	_ =	shalt  }
0x50: {  	_ =	shalt  }
0x51: {  	_ =	shalt  }
0x52: {  	_ =	shalt  }
0x53: {  	_ =	shalt  }
0x54: {  	_ =	shalt  }
0x55: {  	_ =	shalt  }
0x56: {  	_ =	shalt  }
0x57: {  	_ =	shalt  }
0x58: {  	_ =	shalt  }
0x59: {  	_ =	shalt  }
0x5a: {  	_ =	shalt  }
0x5b: {  	_ =	shalt  }
0x5c: {  	_ =	shalt  }
0x5d: {  	_ =	shalt  }
0x5e: {  	_ =	shalt  }
0x5f: {  	_ =	shalt  }
0x60: {  	_ =	shalt  }
0x61: {  	_ =	shalt  }
0x62: {  	_ =	shalt  }
0x63: {  	_ =	shalt  }
0x64: {  	_ =	shalt  }
0x65: {  	_ =	shalt  }
0x66: {  	_ =	shalt  }
0x67: {  	_ =	shalt  }
0x68: {  	_ =	shalt  }
0x69: {  	_ =	shalt  }
0x6a: {  	_ =	shalt  }
0x6b: {  	_ =	shalt  }
0x6c: {  	_ =	shalt  }
0x6d: {  	_ =	shalt  }
0x6e: {  	_ =	shalt  }
0x6f: {  	_ =	shalt  }
0x70: {  	_ =	shalt  }
0x71: {  	_ =	shalt  }
0x72: {  	_ =	shalt  }
0x73: {  	_ =	shalt  }
0x74: {  	_ =	shalt  }
0x75: {  	_ =	shalt  }
0x76: {  	_ =	shalt  }
0x77: {  	_ =	shalt  }
0x78: {  	_ =	shalt  }
0x79: {  	_ =	shalt  }
0x7a: {  	_ =	shalt  }
0x7b: {  	_ =	shalt  }
0x7c: {  	_ =	shalt  }
0x7d: {  	_ =	shalt  }
0x7e: {  	_ =	shalt  }
0x7f: {  	_ =	shalt  }
0x80: {  	_ =	shalt  }
0x81: {  	_ =	shalt  }
0x82: {  	_ =	shalt  }
0x83: {  	_ =	shalt  }
0x84: {  	_ =	shalt  }
0x85: {  	_ =	shalt  }
0x86: {  	_ =	shalt  }
0x87: {  	_ =	shalt  }
.Lfunc_end0:
.L_simem_size_0:
called_computation_lowered:
.L_overlay_start_0:
0x88: {  	s2 =	sld [smem:$0x3FD9]  }
0x89: {  	s3 =	sld [smem:$0x3FFE];
	_ =	sdelay $0x1  }
0x8a: {  	s1 =	srdreg.scid  }
0x8b: {  	s0 =	sand.u32 $0x1, s1  }
0x8c: {  	s17 =	sshll.u32 s0, $0xA;
	s2 =	sadd.s32 s3, s2  }
0x8d: {  	s2 =	sadd.s32 s2, s17  }
0x8e: {  	[smem:$0x3FC7] =	sst s2  }
0x8f: {  	_ = 	snop  }
0x90: {  	s2 =	sld [smem:$0x3FC9]  }
0x91: {  	s18 =	sld [smem:$0x3FD0];
	(tm) =	ssettm $0x1  }
0x92: {  	s4 =	sld [smem:$0x3FFB];
	_ =	sdelay $0x3  }
0x93: {  	_ =	strace s4  }
0x94: {  	s4 =	sld [smem:$0x3FFC];
	_ =	sdelay $0x3  }
0x95: {  	_ =	strace s4  }
0x96: {  	s4 =	sld [smem:$0x3FFD];
	_ =	sdelay $0x3  }
0x97: {  	_ =	strace s4  }
0x98: {  	_ =	strace $0x8FFFFFFF  }
0x99: {  	s19 =	sld [smem:$0x3FDB];
	_ =	sdelay $0x1  }
0x9a: {  	s5 =	simm.s32 $_scs_section_size  }
0x9b: {  	s6 =	simm.s32 $_size__tile_overlayer_lowered;
	s7 =	simm.s32 $_tile_overlayer_lowered  }
0x9c: {  	s22 =	simm.s32 $0x1BFF;
	s21 =	sshll.u32 s7, $0x1;
	s4 =	sadd.s32 s5, s19  }
0x9d: {  	s8 =	simm.s32 $0x0;
	s20 =	sshll.u32 s6, $0x1;
	s6 =	sadd.s32 s21, s4  }
0x9e: {  	[timem:s8], [sflag:s22] =	dma.local [hbm:s6], s20  }
0x9f: {  	_ =	swait.ge [sflag:s22], s20  }
0xa0: {  	s5 =	ssub.s32 $0x0, s20;
	[sflag:s22] =	ssyncset.done $0x0  }
0xa1: {  	[sflag:s22] =	ssyncadd.s32 s5;
	_ =	sdelay $0x1  }
0xa2: {  	s23 =	simm.s32 $0x1B8B  }
0xa3: {  	_ =	swait.ge [sflag:s23], $0x1  }
0xa4: {  	[sflag:s23] =	ssyncset.done $0x0  }
0xa5: {  	s25 =	simm.s32 $0x1B8E;
	s24 =	sld [smem:$0x3FFE];
	[sflag:s23] =	ssyncadd.s32 $0xFFFFFFFF  }
0xa6: {  	s26 =	simm.s32 $execute0_lowered;
	[smem:$0x3FD2] =	sst s25  }
0xa7: {  	s6 =	sshll.u32 s26, $0x1;
	_ =	strace $0x80000046;
	[dreg:$0x1] =	wrdreg $0xFFFFFFFF  }
0xa8: {  	s28 =	simm.s32 $_size_execute0_lowered;
	s4 =	sadd.s32 s4, s6;
	[dreg:$0x0] =	wrdreg $0x0  }
0xa9: {  	s6 =	sshll.u32 s28, $0x1;
	[dreg:$0x2] =	wrdreg s4  }
0xaa: {  	[dreg:$0x3] =	wrdreg s6  }
0xab: {  	[dreg:$0x4] =	wrdreg $0xC0  }
0xac: {  	_ =	task [dreg:s8], $0x5FFFF  }
0xad: {  	[dreg:$0x1] =	wrdreg $0xFFFFFFFF  }
0xae: {  	[dreg:$0x0] =	wrdreg $0x60  }
0xaf: {  	[dreg:$0x2] =	wrdreg s2  }
0xb0: {  	[dreg:$0x3] =	wrdreg s24  }
0xb1: {  	[dreg:$0x4] =	wrdreg s18  }
0xb2: {  	[dreg:$0x5] =	wrdreg $0x9  }
0xb3: {  	_ =	task.clear_ibuf [dreg:s8], $0x6FFFF;
	_ =	strace $0x90000046  }
0xb4: {  	s29 =	simm.s32 $0x9;
	_ =	strace $0x80000048  }
0xb5: {  	_ =	swait.ge [sflag:s29], $0x1  }
0xb6: {  	[sflag:s29] =	ssyncadd.s32 $0xFFFFFFFF  }
0xb7: {  	_ =	strace $0x90000048  }
0xb8: {  	_ =	sfence  }
0xb9: {  	s30 =	sld [smem:$0x0];
	_ =	sdelay $0x2  }
0xba: {  	s31 =	sshll.u32 s1, $0xD;
	s1 =	sshrl.u32 s1, $0x2  }
0xbb: {  	s3 =	sand.u32 $0x4000, s31;
	s1 =	sadd.s32 s1, s30  }
0xbc: {  	s0 =	sor.u32 s3, s0;
	s1 =	sshll.u32 s1, $0x11  }
0xbd: {  	s0 =	sor.u32 s1, s0  }
0xbe: {  	s0 =	sadd.s32 $0x8F2B, s0  }
0xbf: {  	[sflag:s0] =	ssyncadd.remote.s32 $0x1  }
0xc0: {  	_ =	sfence.sel $0xFFFF  }
0xc1: {  	[dreg:$0x0] =	wrdreg $0xFFFFFFFF;
	(pc) =	sbr.abs _section_cstart, $3  }
0xc2: {  	[dreg:$0x1] =	wrdreg $0xFFFFFFFF  }
0xc3: {  	_ =	task.clear_ibuf [dreg:s8], $0x2FFFF;
	_ =	strace $0x9FFFFFFF  }
0xc4: {  	(tm) =	ssettm $0x7FFFFFFF  }
0xc5: {  	_ =	shalt  }
tec
execute0_lowered:
.L_overlay_start_1:
0x0: {  	(tag) =	ssettag $0x1  }
0x1: {  	s13 =	rddreg [dreg:$0x0]  }
0x2: {  	s14 =	rddreg [dreg:$0x2];
	s3 =	srdreg.scid  }
0x3: {  	s0 =	stileid.u32;
	s19 =	simm.s32 $0x1;
	s20 =	simm.s32 $0x8400  }
0x4: {  	s21 =	simm.s32 $0x2;
	s22 =	simm.s32 $0xA400;
	s23 =	simm.s32 $0x3  }
0x5: {  	s24 =	simm.s32 $0x4;
	s15 =	sand.u32 $0x1, s3;
	s4 =	sshll.u32 s0, $0x1  }
0x6: {  	s3 =	simm.s32 $0x0;
	s17 =	sshll.u32 s0, $0xB;
	s18 =	sshll.u32 s0, $0xC  }
0x7: {  	p1 =	sgt.u32 s0, $0x7;
	s5 =	ssub.s32 $0x2, s15;
	s16 =	sor.u32 s15, s4  }
0x8: {  	[smem:$0x7FF] =	sst s3;
	s31 =	sshll.u32 s15, $0xA;
	s15 =	sshll.u32 s15, $0xB  }
0x9: {  	s29 =	sshrl.u32 s5, $0x1;
	s6 =	sshll.u32 s16, $0xB;
	_ =	strace $0x80000047  }
0xa: {  	s30 =	sshll.u32 s16, $0xA;
	s25 =	sor.u32 $0x920, s16;
	s7 =	ssub.s32 s5, s29  }
0xb: {  	s4 =	sadd.s32 s13, s6;
	s12 =	sshll.u32 s25, $0xA;
	s13 =	sadd.s32 s18, s13  }
0xc: {  	s18 =	simm.s32 $0x4400;
	p0 =	slt.u32 s25, $0x930;
	s25 =	simm.s32 $0x0  }
0xd: {  	s5 =	sadd.s32 $0x10000, s4;
	s6 =	smax.u32 s7, $0x1;
	s7 =	sadd.s32 s14, s30  }
0xe: {  	s8 =	sadd.s32 $0x20000, s4;
	s10 =	sadd.s32 $0x30000, s4;
	s12 =	sadd.s32 s14, s12  }
0xf: {  	s14 =	sadd.s32 s17, s14;
	s13 =	sadd.s32 s15, s13;
	s9 =	sadd.s32 $0x8000, s7  }
0x10: {  	s11 =	sadd.s32 $0x240000, s7;
	s17 =	sadd.s32 s31, s14;
	s14 =	sor.u32 $0xA0, s16  }
0x11: {  	s16 =	simm.s32 $0x5;
	s15 =	sadd.s32 $0x18000, s17;
	s17 =	simm.s32 $0x400  }
.LBB2_1:
0x12: {  	s0 =	rddreg [dreg:$0x1]  }
0x13: {  	[tilespmem:s3], [sflag:$0x5] =	stream.linear.gather [hbm4b:s0+s3], $0x400, $0x38;
	[tilespmem:$0xC400] =	vst v63  }
0x14: {  	_ =	swait.ge [sflag:s16], $0x400  }
0x15: {  	[sflag:s16] =	ssyncset.done $0x0  }
0x16: {  	[sflag:s16] =	ssyncadd.s32 $0xFFFFFC00  }
0x17: {  	[tilespmem:s17], [sflag:$0x1] =	stream.linear.gather [hbm4b:s4+s3], $0x4000, $0x38;
	[tilespmem:$0xC400] =	vst v63  }
0x18: {  	_ = 	snop  }
0x19: {  	[tilespmem:s18], [sflag:$0x2] =	stream.linear.gather [hbm4b:s5+s3], $0x4000, $0x38;
	[tilespmem:$0xC400] =	vst v63  }
0x1a: {  	_ =	swait.ge [sflag:s19], $0x4000  }
0x1b: {  	[sflag:s19] =	ssyncset.done $0x0  }
0x1c: {  	[sflag:s19] =	ssyncadd.s32 $0xFFFFC000  }
0x1d: {  	[hbm4b:s7+s3] =	stream.linear.scatter [tilespmem:s20], [sflag:$0x3], $0x2000, $0x38;
	[tilespmem:$0xC400] =	vst v63  }
0x1e: {  	_ = 	snop  }
0x1f: {  	[tilespmem:s17], [sflag:$0x1] =	stream.linear.gather [hbm4b:s8+s3], $0x4000, $0x38;
	[tilespmem:$0xC400] =	vst v63  }
0x20: {  	_ =	swait.ge [sflag:s21], $0x4000  }
0x21: {  	[sflag:s21] =	ssyncset.done $0x0  }
0x22: {  	[sflag:s21] =	ssyncadd.s32 $0xFFFFC000  }
0x23: {  	[hbm4b:s9+s3] =	stream.linear.scatter [tilespmem:s22], [sflag:$0x4], $0x2000, $0x38;
	[tilespmem:$0xC400] =	vst v63  }
0x24: {  	_ = 	snop  }
0x25: {  	[tilespmem:s18], [sflag:$0x2] =	stream.linear.gather [hbm4b:s10+s3], $0x4000, $0x38;
	[tilespmem:$0xC400] =	vst v63  }
0x26: {  	_ =	swait.ge [sflag:s19], $0x4000  }
0x27: {  	[sflag:s19] =	ssyncset.done $0x0  }
0x28: {  	[sflag:s19] =	ssyncadd.s32 $0xFFFFC000  }
0x29: {  	_ =	swait.ge [sflag:s23], $0x2000  }
0x2a: {  	[sflag:s23] =	ssyncset.done $0x0  }
0x2b: {  	s26 =	sadd.s32 $0xFFFF8000, s15;
	s28 =	sadd.s32 $0x0, s13;
	[sflag:s23] =	ssyncadd.s32 $0xFFFFE000  }
0x2c: {  	[hbm4b:s26+s3] =	stream.linear.scatter [tilespmem:s20], [sflag:$0x3], $0x2000, $0x38;
	[tilespmem:$0xC400] =	vst v63  }
0x2d: {  	s2 =	sadd.s32 $0x40000, s28  }
0x2e: {  	[tilespmem:s17], [sflag:$0x1] =	stream.linear.gather [hbm4b:s2+s3], $0x4000, $0x38;
	[tilespmem:$0xC400] =	vst v63  }
0x2f: {  	_ =	swait.ge [sflag:s21], $0x4000  }
0x30: {  	[sflag:s21] =	ssyncset.done $0x0  }
0x31: {  	[sflag:s21] =	ssyncadd.s32 $0xFFFFC000  }
0x32: {  	p3 =	sgt.u32 s14, $0x92F;
	s29 =	sadd.s32 $0x40, s14;
	_ =	swait.ge [sflag:s24], $0x2000  }
0x33: {  	s28 =	sadd.s32 $0x10000, s15;
	s31 =	sadd.s32 @!p3 $0x0, s13;
	[sflag:s24] =	ssyncset.done $0x0  }
0x34: {  	s30 =	simm.s32 @!p3 $0x4400;
	s26 =	simm.s32 $0x20000;
	[sflag:s24] =	ssyncadd.s32 $0xFFFFE000  }
0x35: {  	[hbm4b:s15+s3] =	stream.linear.scatter [tilespmem:s22], [sflag:$0x4], $0x2000, $0x38;
	[tilespmem:$0xC400] =	vst v63  }
.LBB2_2:
0x36: {  	s31 =	sadd.s32 @!p3 $0x50000, s31;
	s0 =	simm.s32 @!p3 $0x0  }
0x37: {  	s1 =	smov.u32 s26;
	s26 =	sadd.s32 $0x20000, s26;
	s2 =	smov.u32 s28  }
0x38: {  	[tilespmem:s30], [sflag:$0x2] =	stream.linear.gather @!p3 [hbm4b:s31+s0], $0x4000, $0x38;
	[tilespmem:$0xC400] =	vst v63  }
0x39: {  	p2 =	sne.s32 s26, $0x460000;
	_ =	swait.ge [sflag:s19], $0x4000  }
0x3a: {  	[sflag:s19] =	ssyncset.done $0x0  }
0x3b: {  	[sflag:s19] =	ssyncadd.s32 $0xFFFFC000  }
0x3c: {  	_ =	swait.ge [sflag:s23], $0x2000  }
0x3d: {  	s0 =	sadd.s32 $0xFFFF8000, s28;
	s30 =	sadd.s32 s1, s13;
	[sflag:s23] =	ssyncset.done $0x0  }
0x3e: {  	[sflag:s23] =	ssyncadd.s32 $0xFFFFE000  }
0x3f: {  	[hbm4b:s0+s3] =	stream.linear.scatter [tilespmem:s20], [sflag:$0x3], $0x2000, $0x38;
	[tilespmem:$0xC400] =	vst v63  }
0x40: {  	s0 =	sadd.s32 $0x40000, s30  }
0x41: {  	[tilespmem:s17], [sflag:$0x1] =	stream.linear.gather [hbm4b:s0+s3], $0x4000, $0x38;
	[tilespmem:$0xC400] =	vst v63  }
0x42: {  	_ =	swait.ge [sflag:s21], $0x4000  }
0x43: {  	[sflag:s21] =	ssyncset.done $0x0  }
.Ltmp0:
0x44: {  	[sflag:s21] =	ssyncadd.s32 $0xFFFFC000;
	(pc) =	sbr.rel @p2 .LBB2_2-.Ltmp0, $4  }
0x45: {  	s28 =	sadd.s32 $0x10000, s28;
	_ =	swait.ge [sflag:s24], $0x2000  }
0x46: {  	p3 =	sgt.u32 s29, $0x92F;
	s29 =	sadd.s32 $0x40, s29;
	[sflag:s24] =	ssyncset.done $0x0  }
0x47: {  	s31 =	sadd.s32 @!p3 s1, s13;
	s30 =	simm.s32 @!p3 $0x4400;
	[sflag:s24] =	ssyncadd.s32 $0xFFFFE000  }
0x48: {  	[hbm4b:s2+s3] =	stream.linear.scatter [tilespmem:s22], [sflag:$0x4], $0x2000, $0x38;
	[tilespmem:$0xC400] =	vst v63  }
0x49: {  	s0 =	sadd.s32 @!p3 $0x50000, s31;
	s1 =	simm.s32 @!p3 $0x0  }
0x4a: {  	[tilespmem:s30], [sflag:$0x2] =	stream.linear.gather @!p3 [hbm4b:s0+s1], $0x4000, $0x38;
	[tilespmem:$0xC400] =	vst v63  }
0x4b: {  	_ =	swait.ge [sflag:s19], $0x4000  }
0x4c: {  	[sflag:s19] =	ssyncset.done $0x0  }
0x4d: {  	[sflag:s19] =	ssyncadd.s32 $0xFFFFC000  }
0x4e: {  	_ =	swait.ge [sflag:s23], $0x2000  }
0x4f: {  	[sflag:s23] =	ssyncset.done $0x0  }
0x50: {  	s0 =	simm.s32 @p0 $0x2;
	[sflag:s23] =	ssyncadd.s32 $0xFFFFE000  }
0x51: {  	[hbm4b:s11+s3] =	stream.linear.scatter [tilespmem:s20], [sflag:$0x3], $0x2000, $0x38;
	[tilespmem:$0xC400] =	vst v63  }
0x52: {  	_ =	swait.ge @p0 [sflag:s0], $0x4000  }
0x53: {  	[sflag:s0] =	ssyncset.done @p0 $0x0  }
0x54: {  	[sflag:s0] =	ssyncadd.s32 @p0 $0xFFFFC000;
	s0 =	simm.s32 @p0 $0x4  }
0x55: {  	_ =	swait.ge @p0 [sflag:s0], $0x2000  }
0x56: {  	[sflag:s0] =	ssyncset.done @p0 $0x0  }
0x57: {  	s1 =	simm.s32 @p0 $0xA400;
	[sflag:s0] =	ssyncadd.s32 @p0 $0xFFFFE000;
	s0 =	simm.s32 @p0 $0x0  }
0x58: {  	[hbm4b:s12+s0] =	stream.linear.scatter @p0 [tilespmem:s1], [sflag:$0x4], $0x2000, $0x38;
	[tilespmem:$0xC400] =	vst v63  }
0x59: {  	s0 =	simm.s32 @!p0 $0x4  }
0x5a: {  	_ =	swait.ge @!p0 [sflag:s0], $0x2000  }
0x5b: {  	[sflag:s0] =	ssyncset.done @!p0 $0x0  }
0x5c: {  	s25 =	sadd.s32 $0x1, s25;
	[sflag:s0] =	ssyncadd.s32 @!p0 $0xFFFFE000  }
0x5d: {  	p2 =	sne.s32 s25, s6;
	_ =	swait.ge [sflag:s23], $0x2000  }
.Ltmp1:
0x5e: {  	[sflag:s23] =	ssyncset.done $0x0;
	(pc) =	sbr.rel @p2 .LBB2_1-.Ltmp1, $4  }
0x5f: {  	s0 =	simm.s32 @!p1 $0x4;
	[sflag:s23] =	ssyncadd.s32 $0xFFFFE000  }
0x60: {  	_ =	swait.ge @!p1 [sflag:s0], $0x2000  }
0x61: {  	[sflag:s0] =	ssyncset.done @!p1 $0x0  }
0x62: {  	[sflag:s0] =	ssyncadd.s32 @!p1 $0xFFFFE000  }
0x63: {  	_ =	sfence.sel $0x180000  }
0x64: {  	[bflag:$0x0] =	sbarrier.arrive $0xFFFF  }
0x65: {  	_ =	strace $0x90000047  }
0x66: {  	s0 =	stileid.u32;
	[bflag:$0x2] =	sbarrier.arrive $0xFFFF  }
0x67: {  	p0 =	sne.s32 s0, $0x0;
	s0 =	rddreg [dreg:$0x3]  }
0x68: {  	s0 =	sadd.s32 @!p0 $0x100000, s0  }
0x69: {  	[sflag:s0] =	ssyncadd.tile.s32 @!p0 $0x1;
	_ =	shalt  }
.Lfunc_end2:
_tile_overlayer_lowered:
.L_overlay_start_2:
0x6a: {  	(tag) =	ssettag $0x2  }
0x6b: {  	s0 =	rddreg [dreg:$0x0];
	s2 =	stileid.u32  }
0x6c: {  	s1 =	rddreg [dreg:$0x1];
	p0 =	sne.s32 s2, $0x0  }
0x6d: {  	s3 =	rddreg [dreg:$0x2];
	[bflag:$0x3] =	sbarrier.arrive $0xFFFF;
	s2 =	simm.s32 @!p0 $0x1C05  }
0x6e: {  	[timem:s3], [sflag:s2] =	dma.local @!p0 [hbm:s0], s1  }
0x6f: {  	s0 =	simm.s32 @!p0 $0x5  }
0x70: {  	_ =	swait.ge @!p0 [sflag:s0], s1  }
0x71: {  	s1 =	ssub.s32 @!p0 $0x0, s1;
	[sflag:s0] =	ssyncset.done @!p0 $0x0  }
0x72: {  	[sflag:s0] =	ssyncadd.s32 @!p0 s1  }
0x73: {  	[bflag:$0x3] =	sbarrier.arrive $0xFFFF  }
0x74: {  	_ =	shalt  }

</sc_bundles>
